<compile_context>
chip_gen: v7x
topology: tpu7x:2x2x1
jax: 0.10.2.dev20260603
libtpu: 0.0.44.dev20260713+nightly
codegen_flags: <defaults>
</compile_context>

<pallas_src>
import functools

import jax
import jax.numpy as jnp
from jax import lax
from jax.experimental import pallas as pl
from jax.experimental.pallas import tpu as pltpu
from jax.experimental.pallas import tpu_sc as plsc

D = 3072
K = 8192
B = 1024
KB = 512
NK = K // KB

_NC = 2
_NS = 16
_NW = _NC * _NS
_BPW = B // _NW


def _sim_argmax_body(t_ref, w_ref, idx_ref, wt_ref, tb_ref, vals_ref, idxs_ref):
    j = pl.program_id(0)

    @pl.when(j == 0)
    def _cast_t():
        tb_ref[...] = t_ref[...].astype(jnp.bfloat16)

    wb = w_ref[...].astype(jnp.bfloat16)
    a = jnp.dot(tb_ref[...], wb, preferred_element_type=jnp.float32)
    top = lax.bitcast_convert_type(wb[: D // 2, :].astype(jnp.float32),
                                   jnp.int32)
    bot = lax.bitcast_convert_type(wb[D // 2:, :].astype(jnp.float32),
                                   jnp.int32)
    packed = lax.bitwise_or(lax.shift_right_logical(top, 16), bot)
    wt_ref[...] = packed.T
    m = jnp.max(a, axis=1, keepdims=True)
    lane = lax.broadcasted_iota(jnp.int32, a.shape, 1)
    loc = jnp.min(jnp.where(a == m, lane, K), axis=1, keepdims=True) + j * KB

    @pl.when(j == 0)
    def _init():
        vals_ref[...] = m
        idxs_ref[...] = loc

    @pl.when(j > 0)
    def _update():
        better = m > vals_ref[...]
        vals_ref[...] = jnp.where(better, m, vals_ref[...])
        idxs_ref[...] = jnp.where(better, loc, idxs_ref[...])

    @pl.when(j == NK - 1)
    def _emit():
        idx_ref[...] = idxs_ref[...]


def _sim_argmax(t_bf16, W):
    return pl.pallas_call(
        _sim_argmax_body,
        grid=(NK,),
        in_specs=[
            pl.BlockSpec((B, D), lambda j: (0, 0)),
            pl.BlockSpec((D, KB), lambda j: (0, j)),
        ],
        out_specs=[
            pl.BlockSpec((B, 1), lambda j: (0, 0)),
            pl.BlockSpec((KB, D // 2), lambda j: (j, 0)),
        ],
        out_shape=[
            jax.ShapeDtypeStruct((B, 1), jnp.int32),
            jax.ShapeDtypeStruct((K, D // 2), jnp.int32),
        ],
        scratch_shapes=[
            pltpu.VMEM((B, D), jnp.bfloat16),
            pltpu.VMEM((B, 1), jnp.float32),
            pltpu.VMEM((B, 1), jnp.int32),
        ],
        compiler_params=pltpu.CompilerParams(
            dimension_semantics=("arbitrary",),
        ),
    )(t_bf16, W)


def _decode_gather(wt, idx):
    mesh = plsc.VectorSubcoreMesh(core_axis_name="c", subcore_axis_name="s")

    @functools.partial(
        pl.kernel,
        mesh=mesh,
        out_type=jax.ShapeDtypeStruct((B, D // 2), jnp.int32),
        scratch_types=[
            pltpu.VMEM((_BPW,), jnp.int32),
            pltpu.VMEM((_BPW, D // 2), jnp.int32),
            pltpu.SemaphoreType.DMA,
        ],
    )
    def gk(wt_hbm, idx_hbm, out_hbm, idx_v, rows_v, sem):
        wid = lax.axis_index("s") * _NC + lax.axis_index("c")
        base = wid * _BPW
        pltpu.sync_copy(idx_hbm.at[pl.ds(base, _BPW)], idx_v)
        pltpu.async_copy(wt_hbm.at[idx_v], rows_v, sem).wait()
        pltpu.sync_copy(rows_v, out_hbm.at[pl.ds(base, _BPW)])

    return gk(wt, idx)


def kernel(targ, W):
    t = targ.reshape(targ.shape[0], -1)
    idx2d, wt = _sim_argmax(t, W)
    packed = _decode_gather(wt, idx2d.reshape(B))
    pairs = lax.bitcast_convert_type(packed, jnp.bfloat16)
    out_bf16 = jnp.concatenate([pairs[:, :, 0], pairs[:, :, 1]], axis=1)
    return out_bf16.astype(jnp.float32)

# --- scband reference (transcript-rebuilt; emitter-appended) ---
"""Pipeline reference for scband-mem-unit-7868380086597 (READ-ONLY COPY).

The authoritative reference and input builder live on the scoring server;
editing this copy changes nothing except your own understanding.
"""

import jax, jax.numpy as jnp
import numpy as np

D = 3072
K = 8192
B = 1024

def setup_inputs(seed: int = 0) -> dict:
    key = jax.random.key(seed)
    k1, k2 = jax.random.split(key)
    targ = jax.random.normal(k1, (B, D), dtype=jnp.float32)
    # wts = nn.Linear(K, D, bias=False) -> weight shape [D, K]; wt_up==2 keeps the
    # kaiming-uniform init (U(-1/sqrt(K), 1/sqrt(K))) instead of zeroing.
    bound = 1.0 / np.sqrt(K)
    W = jax.random.uniform(k2, (D, K), dtype=jnp.float32, minval=-bound, maxval=bound)
    return {"targ": targ, "W": W}

def reference(targ, W):
    # MemUnit.recall(targ) with simFunc=0, actFunc=0:
    #   t = targ.view(B, -1)
    #   a = infer_step(t) = t @ wts.weight            -> [B, K] similarities
    #   z = one_hot(argmax(a, dim=1), K)              -> hard VQ assignment
    #   return predict(z) = wts(z) = z @ wts.weight.T -> [B, D] reconstruction
    t = targ.reshape(targ.shape[0], -1)
    a = t @ W
    idx = jnp.argmax(a, axis=1)
    z = jax.nn.one_hot(idx, K, dtype=jnp.float32)
    out = z @ W.T
    return out

if __name__ == "__main__":
    import jax
    _d = setup_inputs()
    print(jax.jit(kernel)(*tuple(_d.values())))

</pallas_src>

<mosaic_0001>
#map = affine_map<(d0, d1) -> (0, 0)>
#map1 = affine_map<(d0, d1) -> (0)>
module attributes {stable_mosaic.version = 14 : i64} {
  func.func @gk(%arg0: i32, %arg1: i32, %arg2: memref<8192x1536xi32, #tpu.memory_space<hbm>>, %arg3: memref<1024xi32, #tpu.memory_space<hbm>>, %arg4: memref<1024x1536xi32, #tpu.memory_space<hbm>>, %arg5: memref<32xi32, #tpu.memory_space<vmem>>, %arg6: memref<32x1536xi32, #tpu.memory_space<vmem>>, %arg7: memref<!tpu.dma_semaphore, #tpu.memory_space<semaphore_mem>>) attributes {dimension_semantics = [#tpu.dimension_semantics<core_parallel>, #tpu.dimension_semantics<subcore_parallel>], iteration_bounds = array<i64: 2, 16>, scalar_prefetch = 0 : i64, scratch_operands = 3 : i64, tpu.core_type = #tpu.core_type<sc_vector_subcore>, window_params = [{transform_indices = #map}, {transform_indices = #map1}, {transform_indices = #map}]} {
    %mul3A = arith.constant 2 : i32
    %mul3A_0 = arith.muli %arg1, %mul3A : i32
    %add3A = arith.addi %mul3A_0, %arg0 : i32
    %mul3A_1 = arith.constant 32 : i32
    %mul3A_2 = arith.muli %add3A, %mul3A_1 : i32
    "tpu.region"() ({
      %run_scoped3A = tpu.sem_alloc : memref<!tpu.dma_semaphore, #tpu.memory_space<semaphore_mem>>
      %dma_start3A_7 = tpu.memref_slice %arg3[%mul3A_2] : memref<1024xi32, #tpu.memory_space<hbm>> -> memref<32xi32, #tpu.memory_space<hbm>>
      %dma_start3A_8 = tpu.memref_slice %arg3[%mul3A_2] : memref<1024xi32, #tpu.memory_space<hbm>> -> memref<32xi32, #tpu.memory_space<hbm>>
      tpu.enqueue_dma source(%dma_start3A_8 : memref<32xi32, #tpu.memory_space<hbm>>) target(%arg5 : memref<32xi32, #tpu.memory_space<vmem>>) target_semaphore(%run_scoped3A : memref<!tpu.dma_semaphore, #tpu.memory_space<semaphore_mem>>)
      %dma_wait3A_9 = tpu.memref_slice %arg3[%mul3A_2] : memref<1024xi32, #tpu.memory_space<hbm>> -> memref<32xi32, #tpu.memory_space<hbm>>
      %dma_wait3A_10 = tpu.memref_slice %arg3[%mul3A_2] : memref<1024xi32, #tpu.memory_space<hbm>> -> memref<32xi32, #tpu.memory_space<hbm>>
      tpu.wait_dma2 semaphore(%run_scoped3A : memref<!tpu.dma_semaphore, #tpu.memory_space<semaphore_mem>>) src(%dma_wait3A_10 : memref<32xi32, #tpu.memory_space<hbm>>) dst(%arg5 : memref<32xi32, #tpu.memory_space<vmem>>)
      tpu.yield
    }) : () -> ()
    %dma_start3A = arith.constant 0 : i32
    %dma_start3A_3 = arith.constant 0 : i32
    %dma_start3A_4 = tpu.memref_slice %arg2[%dma_start3A, %dma_start3A_3] : memref<8192x1536xi32, #tpu.memory_space<hbm>> -> memref<8192x1536xi32, #tpu.memory_space<hbm>>
    tpu.enqueue_indirect_dma source(%dma_start3A_4 : memref<8192x1536xi32, #tpu.memory_space<hbm>>) target(%arg6 : memref<32x1536xi32, #tpu.memory_space<vmem>>) offsets(%arg5 : memref<32xi32, #tpu.memory_space<vmem>>) semaphore(%arg7 : memref<!tpu.dma_semaphore, #tpu.memory_space<semaphore_mem>>)
    %dma_wait3A = arith.constant 0 : i32
    %dma_wait3A_5 = arith.constant 0 : i32
    %dma_wait3A_6 = tpu.memref_slice %arg2[%dma_wait3A, %dma_wait3A_5] : memref<8192x1536xi32, #tpu.memory_space<hbm>> -> memref<8192x1536xi32, #tpu.memory_space<hbm>>
    tpu.wait_indirect_dma semaphore(%arg7 : memref<!tpu.dma_semaphore, #tpu.memory_space<semaphore_mem>>) src(%dma_wait3A_6 : memref<8192x1536xi32, #tpu.memory_space<hbm>>) dst(%arg6 : memref<32x1536xi32, #tpu.memory_space<vmem>>)
    "tpu.region"() ({
      %run_scoped3A = tpu.sem_alloc : memref<!tpu.dma_semaphore, #tpu.memory_space<semaphore_mem>>
      %dma_start3A_7 = arith.constant 0 : i32
      %dma_start3A_8 = tpu.memref_slice %arg4[%mul3A_2, %dma_start3A_7] : memref<1024x1536xi32, #tpu.memory_space<hbm>> -> memref<32x1536xi32, #tpu.memory_space<hbm>>
      %dma_start3A_9 = arith.constant 0 : i32
      %dma_start3A_10 = tpu.memref_slice %arg4[%mul3A_2, %dma_start3A_9] : memref<1024x1536xi32, #tpu.memory_space<hbm>> -> memref<32x1536xi32, #tpu.memory_space<hbm>>
      tpu.enqueue_dma source(%arg6 : memref<32x1536xi32, #tpu.memory_space<vmem>>) target(%dma_start3A_10 : memref<32x1536xi32, #tpu.memory_space<hbm>>) target_semaphore(%run_scoped3A : memref<!tpu.dma_semaphore, #tpu.memory_space<semaphore_mem>>)
      %dma_wait3A_11 = arith.constant 0 : i32
      %dma_wait3A_12 = tpu.memref_slice %arg4[%mul3A_2, %dma_wait3A_11] : memref<1024x1536xi32, #tpu.memory_space<hbm>> -> memref<32x1536xi32, #tpu.memory_space<hbm>>
      %dma_wait3A_13 = arith.constant 0 : i32
      %dma_wait3A_14 = tpu.memref_slice %arg4[%mul3A_2, %dma_wait3A_13] : memref<1024x1536xi32, #tpu.memory_space<hbm>> -> memref<32x1536xi32, #tpu.memory_space<hbm>>
      tpu.wait_dma2 semaphore(%run_scoped3A : memref<!tpu.dma_semaphore, #tpu.memory_space<semaphore_mem>>) src(%arg6 : memref<32x1536xi32, #tpu.memory_space<vmem>>) dst(%dma_wait3A_14 : memref<32x1536xi32, #tpu.memory_space<hbm>>)
      tpu.yield
    }) : () -> ()
    return
  }
}

module attributes {stable_mosaic.version = 14 : i64} {
  func.func @_sim_argmax_body(%arg0: i32, %arg1: memref<1024x3072xf32, #tpu.memory_space<vmem>>, %arg2: memref<3072x512xf32, #tpu.memory_space<vmem>>, %arg3: memref<1024x1xi32, #tpu.memory_space<vmem>>, %arg4: memref<512x1536xi32, #tpu.memory_space<vmem>>, %arg5: memref<1024x3072xbf16, #tpu.memory_space<vmem>>, %arg6: memref<1024x1xf32, #tpu.memory_space<vmem>>, %arg7: memref<1024x1xi32, #tpu.memory_space<vmem>>) attributes {dimension_semantics = [#tpu.dimension_semantics<arbitrary>], iteration_bounds = array<i64: 16>, scalar_prefetch = 0 : i64, scratch_operands = 3 : i64, tpu.core_type = #tpu.core_type<tc>, window_params = [{pipeline_mode = #tpu.pipeline_mode<synchronous>, transform_indices = @transform_0, window_bounds = array<i64: 1024, 3072>}, {transform_indices = @transform_1, window_bounds = array<i64: 3072, 512>}, {pipeline_mode = #tpu.pipeline_mode<synchronous>, transform_indices = @transform_2, window_bounds = array<i64: 1024, 1>}, {transform_indices = @transform_3, window_bounds = array<i64: 512, 1536>}]} {
    %eq3A = arith.constant 0 : i32
    %eq3A_0 = arith.cmpi eq, %arg0, %eq3A : i32
    %convert_element_type3A = arith.extui %eq3A_0 : i1 to i32
    %cond3A = arith.constant 0 : i32
    %cond3A_1 = arith.cmpi ne, %convert_element_type3A, %cond3A : i32
    scf.if %cond3A_1 {
      %get3A_39 = arith.constant 0 : index
      %get3A_40 = arith.constant 0 : index
      %get3A_41 = vector.load %arg1[%get3A_39, %get3A_40] : memref<1024x3072xf32, #tpu.memory_space<vmem>>, vector<1024x3072xf32>
      %convert_element_type3A_42 = arith.truncf %get3A_41 : vector<1024x3072xf32> to vector<1024x3072xbf16>
      %swap3A_43 = arith.constant 0 : index
      %swap3A_44 = arith.constant 0 : index
      %swap3A_45 = vector.load %arg5[%swap3A_43, %swap3A_44] : memref<1024x3072xbf16, #tpu.memory_space<vmem>>, vector<1024x3072xbf16>
      tpu.vector_store %arg5[%swap3A_43, %swap3A_44], %convert_element_type3A_42 {strides = array<i32>} : memref<1024x3072xbf16, #tpu.memory_space<vmem>>, vector<1024x3072xbf16>,
    } else {
    }
    %get3A = arith.constant 0 : index
    %get3A_2 = arith.constant 0 : index
    %get3A_3 = vector.load %arg2[%get3A, %get3A_2] : memref<3072x512xf32, #tpu.memory_space<vmem>>, vector<3072x512xf32>
    %convert_element_type3A_4 = arith.truncf %get3A_3 : vector<3072x512xf32> to vector<3072x512xbf16>
    %get3A_5 = arith.constant 0 : index
    %get3A_6 = arith.constant 0 : index
    %get3A_7 = vector.load %arg5[%get3A_5, %get3A_6] : memref<1024x3072xbf16, #tpu.memory_space<vmem>>, vector<1024x3072xbf16>
    %dot_general3A = arith.constant dense<0.000000e+00> : vector<1024x512xf32>
    %dot_general3A_8 = tpu.matmul %get3A_7, %convert_element_type3A_4, %dot_general3A {dimension_numbers = #tpu.dot_dimension_numbers<[1], [0], [0], [1], [0, 0, 1, 1], [], []>, transpose_lhs_hint = false} : vector<1024x3072xbf16>, vector<3072x512xbf16>, vector<1024x512xf32> -> vector<1024x512xf32>
    %slice3A = vector.extract_strided_slice %convert_element_type3A_4 {offsets = [0, 0], sizes = [1536, 512], strides = [1, 1]} : vector<3072x512xbf16> to vector<1536x512xbf16>
    %convert_element_type3A_9 = arith.extf %slice3A : vector<1536x512xbf16> to vector<1536x512xf32>
    %bitcast_convert_type3A = tpu.bitcast %convert_element_type3A_9 : vector<1536x512xf32> -> vector<1536x512xi32>
    %slice3A_10 = vector.extract_strided_slice %convert_element_type3A_4 {offsets = [1536, 0], sizes = [1536, 512], strides = [1, 1]} : vector<3072x512xbf16> to vector<1536x512xbf16>
    %convert_element_type3A_11 = arith.extf %slice3A_10 : vector<1536x512xbf16> to vector<1536x512xf32>
    %bitcast_convert_type3A_12 = tpu.bitcast %convert_element_type3A_11 : vector<1536x512xf32> -> vector<1536x512xi32>
    %shift_right_logical3A = arith.constant 16 : i32
    %shift_right_logical3A_13 = vector.broadcast %shift_right_logical3A : i32 to vector<1536x512xi32>
    %shift_right_logical3A_14 = arith.shrui %bitcast_convert_type3A, %shift_right_logical3A_13 : vector<1536x512xi32>
    %or3A = arith.ori %shift_right_logical3A_14, %bitcast_convert_type3A_12 : vector<1536x512xi32>
    %transpose3A = tpu.transpose %or3A, [1, 0] : vector<1536x512xi32> -> vector<512x1536xi32>
    %swap3A = arith.constant 0 : index
    %swap3A_15 = arith.constant 0 : index
    %swap3A_16 = vector.load %arg4[%swap3A, %swap3A_15] : memref<512x1536xi32, #tpu.memory_space<vmem>>, vector<512x1536xi32>
    tpu.vector_store %arg4[%swap3A, %swap3A_15], %transpose3A {strides = array<i32>} : memref<512x1536xi32, #tpu.memory_space<vmem>>, vector<512x1536xi32>,
    %reduce_max3A = arith.constant dense<0xFF800000> : vector<1024xf32>
    %reduce_max3A_17 = vector.multi_reduction <maximumf>, %dot_general3A_8, %reduce_max3A [1] : vector<1024x512xf32> to vector<1024xf32>
    %broadcast_in_dim3A = vector.shape_cast %reduce_max3A_17 : vector<1024xf32> to vector<1024x1xf32>
    %iota3A = tpu.iota {dimensions = array<i32: 1>} : vector<1024x512xi32>
    %eq3A_18 = vector.broadcast %broadcast_in_dim3A : vector<1024x1xf32> to vector<1024x512xf32>
    %eq3A_19 = arith.cmpf oeq, %dot_general3A_8, %eq3A_18 : vector<1024x512xf32>
    %jit3A = arith.constant 8192 : i32
    %broadcast_in_dim3A_20 = vector.broadcast %jit3A : i32 to vector<1024x512xi32>
    %select_n3A = arith.select %eq3A_19, %iota3A, %broadcast_in_dim3A_20 : vector<1024x512xi1>, vector<1024x512xi32>
    %reduce_min3A = arith.constant dense<2147483647> : vector<1024xi32>
    %reduce_min3A_21 = vector.multi_reduction <minsi>, %select_n3A, %reduce_min3A [1] : vector<1024x512xi32> to vector<1024xi32>
    %broadcast_in_dim3A_22 = vector.shape_cast %reduce_min3A_21 : vector<1024xi32> to vector<1024x1xi32>
    %mul3A = arith.constant 512 : i32
    %mul3A_23 = arith.muli %arg0, %mul3A : i32
    %add3A = vector.broadcast %mul3A_23 : i32 to vector<1024x1xi32>
    %add3A_24 = arith.addi %broadcast_in_dim3A_22, %add3A : vector<1024x1xi32>
    %eq3A_25 = arith.constant 0 : i32
    %eq3A_26 = arith.cmpi eq, %arg0, %eq3A_25 : i32
    %convert_element_type3A_27 = arith.extui %eq3A_26 : i1 to i32
    %cond3A_28 = arith.constant 0 : i32
    %cond3A_29 = arith.cmpi ne, %convert_element_type3A_27, %cond3A_28 : i32
    scf.if %cond3A_29 {
      %swap3A_39 = arith.constant 0 : index
      %swap3A_40 = arith.constant 0 : index
      %swap3A_41 = vector.load %arg6[%swap3A_39, %swap3A_40] : memref<1024x1xf32, #tpu.memory_space<vmem>>, vector<1024x1xf32>
      tpu.vector_store %arg6[%swap3A_39, %swap3A_40], %broadcast_in_dim3A {strides = array<i32>} : memref<1024x1xf32, #tpu.memory_space<vmem>>, vector<1024x1xf32>,
      %swap3A_42 = arith.constant 0 : index
      %swap3A_43 = arith.constant 0 : index
      %swap3A_44 = vector.load %arg7[%swap3A_42, %swap3A_43] : memref<1024x1xi32, #tpu.memory_space<vmem>>, vector<1024x1xi32>
      tpu.vector_store %arg7[%swap3A_42, %swap3A_43], %add3A_24 {strides = array<i32>} : memref<1024x1xi32, #tpu.memory_space<vmem>>, vector<1024x1xi32>,
    } else {
    }
    %gt3A = arith.constant 0 : i32
    %gt3A_30 = arith.cmpi sgt, %arg0, %gt3A : i32
    %convert_element_type3A_31 = arith.extui %gt3A_30 : i1 to i32
    %cond3A_32 = arith.constant 0 : i32
    %cond3A_33 = arith.cmpi ne, %convert_element_type3A_31, %cond3A_32 : i32
    scf.if %cond3A_33 {
      %get3A_39 = arith.constant 0 : index
      %get3A_40 = arith.constant 0 : index
      %get3A_41 = vector.load %arg6[%get3A_39, %get3A_40] : memref<1024x1xf32, #tpu.memory_space<vmem>>, vector<1024x1xf32>
      %gt3A_42 = arith.cmpf ogt, %broadcast_in_dim3A, %get3A_41 : vector<1024x1xf32>
      %get3A_43 = arith.constant 0 : index
      %get3A_44 = arith.constant 0 : index
      %get3A_45 = vector.load %arg6[%get3A_43, %get3A_44] : memref<1024x1xf32, #tpu.memory_space<vmem>>, vector<1024x1xf32>
      %select_n3A_46 = arith.select %gt3A_42, %broadcast_in_dim3A, %get3A_45 : vector<1024x1xi1>, vector<1024x1xf32>
      %swap3A_47 = arith.constant 0 : index
      %swap3A_48 = arith.constant 0 : index
      %swap3A_49 = vector.load %arg6[%swap3A_47, %swap3A_48] : memref<1024x1xf32, #tpu.memory_space<vmem>>, vector<1024x1xf32>
      tpu.vector_store %arg6[%swap3A_47, %swap3A_48], %select_n3A_46 {strides = array<i32>} : memref<1024x1xf32, #tpu.memory_space<vmem>>, vector<1024x1xf32>,
      %get3A_50 = arith.constant 0 : index
      %get3A_51 = arith.constant 0 : index
      %get3A_52 = vector.load %arg7[%get3A_50, %get3A_51] : memref<1024x1xi32, #tpu.memory_space<vmem>>, vector<1024x1xi32>
      %select_n3A_53 = arith.select %gt3A_42, %add3A_24, %get3A_52 : vector<1024x1xi1>, vector<1024x1xi32>
      %swap3A_54 = arith.constant 0 : index
      %swap3A_55 = arith.constant 0 : index
      %swap3A_56 = vector.load %arg7[%swap3A_54, %swap3A_55] : memref<1024x1xi32, #tpu.memory_space<vmem>>, vector<1024x1xi32>
      tpu.vector_store %arg7[%swap3A_54, %swap3A_55], %select_n3A_53 {strides = array<i32>} : memref<1024x1xi32, #tpu.memory_space<vmem>>, vector<1024x1xi32>,
    } else {
    }
    %eq3A_34 = arith.constant 15 : i32
    %eq3A_35 = arith.cmpi eq, %arg0, %eq3A_34 : i32
    %convert_element_type3A_36 = arith.extui %eq3A_35 : i1 to i32
    %cond3A_37 = arith.constant 0 : i32
    %cond3A_38 = arith.cmpi ne, %convert_element_type3A_36, %cond3A_37 : i32
    scf.if %cond3A_38 {
      %get3A_39 = arith.constant 0 : index
      %get3A_40 = arith.constant 0 : index
      %get3A_41 = vector.load %arg7[%get3A_39, %get3A_40] : memref<1024x1xi32, #tpu.memory_space<vmem>>, vector<1024x1xi32>
      %swap3A_42 = arith.constant 0 : index
      %swap3A_43 = arith.constant 0 : index
      %swap3A_44 = vector.load %arg3[%swap3A_42, %swap3A_43] : memref<1024x1xi32, #tpu.memory_space<vmem>>, vector<1024x1xi32>
      tpu.vector_store %arg3[%swap3A_42, %swap3A_43], %get3A_41 {strides = array<i32>} : memref<1024x1xi32, #tpu.memory_space<vmem>>, vector<1024x1xi32>,
    } else {
    }
    return
  }
  func.func @transform_0(%arg0: i32) -> (i32, i32) {
    %c0_i32 = arith.constant 0 : i32
    %c0_i32_0 = arith.constant 0 : i32
    %c0_i32_1 = arith.constant 0 : i32
    return %c0_i32, %c0_i32_0 : i32, i32
  }
  func.func @transform_1(%arg0: i32) -> (i32, i32) {
    %c0_i32 = arith.constant 0 : i32
    %c0_i32_0 = arith.constant 0 : i32
    return %c0_i32, %arg0 : i32, i32
  }
  func.func @transform_2(%arg0: i32) -> (i32, i32) {
    %c0_i32 = arith.constant 0 : i32
    %c0_i32_0 = arith.constant 0 : i32
    %c0_i32_1 = arith.constant 0 : i32
    return %c0_i32, %c0_i32_0 : i32, i32
  }
  func.func @transform_3(%arg0: i32) -> (i32, i32) {
    %c0_i32 = arith.constant 0 : i32
    %c0_i32_0 = arith.constant 0 : i32
    return %arg0, %c0_i32 : i32, i32
  }
}

</mosaic_0001>

<sc_bundles>
// kernel: kernel.4.cloned.1.call-start
scs
__scs_entry_jumppad:
0x0: {  	(pc) =	sbr.rel $0x88, $3  }
0x1: {  	(tag) =	ssettag $0x0;
	lr =	simm.s32 $0x1  }
0x2: {  	[smem:$0x3F9F] =	sst lr;
	_ =	strace $0xD0000000  }
0x3: {  	_ = 	snop  }
0x4: {  	_ = 	snop  }
0x5: {  	_ = 	snop  }
0x6: {  	_ = 	snop  }
0x7: {  	_ = 	snop  }
__scs_overlays_trampoline_lowered:
0x8: {  	[smem:$0x3FAE] =	sst s0  }
0x9: {  	[smem:$0x3FAF] =	sst s1  }
0xa: {  	[smem:$0x3FB0] =	sst s2  }
0xb: {  	[smem:$0x3FB1] =	sst s3  }
0xc: {  	[smem:$0x3FB2] =	sst s4  }
0xd: {  	[smem:$0x3FB3] =	sst s5  }
0xe: {  	[smem:$0x3FB4] =	sst s6  }
0xf: {  	[smem:$0x3FB5] =	sst s7  }
0x10: {  	[smem:$0x3FB6] =	sst s8  }
0x11: {  	[smem:$0x3FB7] =	sst s9;
	s0 =	simm.s32 @!p0 $0x0  }
0x12: {  	s1 =	sld [smem:$0x3F9D];
	s0 =	simm.s32 @p0 $0x1  }
0x13: {  	[smem:$0x3FB8] =	sst s0;
	s0 =	simm.s32 @!p1 $0x0  }
0x14: {  	s2 =	sld [smem:$0x3F9C];
	s0 =	simm.s32 @p1 $0x1  }
0x15: {  	[smem:$0x3FB9] =	sst s0;
	s0 =	simm.s32 @!p2 $0x0  }
0x16: {  	s3 =	sld [smem:$0x3FDB];
	s0 =	simm.s32 @p2 $0x1  }
0x17: {  	s4 =	simm.s32 $0x1BF5;
	[smem:$0x3FBB] =	sst s0  }
0x18: {  	s0 =	sld [smem:$0x3F9E];
	_ =	swait.ge [sflag:s4], $0x0  }
0x19: {  	s7 =	sld [smem:$0x3F9F]  }
0x1a: {  	s8 =	sadd.s32 $0xFFFFE003, lr  }
0x1b: {  	s9 =	sadd.s32 $0xFFFFFEF7, lr;
	s5 =	simm.s32 $0xFFFFFFFF;
	p2 =	slt.u32 s8, $0xFFFFF086  }
0x1c: {  	p1 =	slt.u32 s9, $0xF7A;
	s5 =	simm.s32 @!p2 $0x0  }
0x1d: {  	s5 =	simm.s32 @p1 $0x1;
	p0 =	seq.s32 s7, s2  }
0x1e: {  	s7 =	smul.u32 @!p0 $0xF7A, s2;
	p2 =	seq.s32 @!p0 s5, $0x0  }
0x1f: {  	s9 =	smul.u32 $0xF7A, s1;
	s8 =	simm.s32 @!p0 $0x1BF5;
	p2 =	por !p2, p0  }
0x20: {  	[sflag:s8] =	ssyncset.s32 @!p0 $0xFFFFF086;
	s6 =	sadd.s32 @!p0 s3, s7;
	s7 =	simm.s32 @!p0 $0x108  }
0x21: {  	s3 =	sadd.s32 s3, s9;
	s6 =	sadd.s32 @!p0 $0x88, s6;
	s7 =	simm.s32 @p2 $0x1082  }
0x22: {  	[simem:s7], [sflag:s8] =	dma.local @!p0 [hbm:s6], $0xF7A  }
0x23: {  	s9 =	sor.u32 $0xD0000000, s2;
	s6 =	simm.s32 $0x108;
	_ =	swait.ge @!p0 [sflag:s8], $0x0  }
0x24: {  	s3 =	sadd.s32 $0x88, s3;
	s6 =	simm.s32 @!p1 $0x1082;
	[sflag:s4] =	ssyncset.s32 $0xFFFFF086  }
0x25: {  	[simem:s6], [sflag:s4] =	dma.local [hbm:s3], $0xF7A  }
0x26: {  	[smem:$0x3F9F] =	sst s1;
	(tag) =	ssettag s2;
	_ =	strace s9  }
0x27: {  	s1 =	sld [smem:$0x3FAF]  }
0x28: {  	s2 =	sld [smem:$0x3FB0]  }
0x29: {  	s4 =	sld [smem:$0x3FB2]  }
0x2a: {  	p0 =	seq.s32 s5, $0x0;
	s5 =	sld [smem:$0x3FB3]  }
0x2b: {  	s6 =	sld [smem:$0x3FB4]  }
0x2c: {  	s7 =	sld [smem:$0x3FB5]  }
0x2d: {  	s3 =	simm.s32 $0x108;
	s8 =	sld [smem:$0x3FB6]  }
0x2e: {  	s3 =	simm.s32 @!p0 $0x1082;
	s9 =	sld [smem:$0x3FB7]  }
0x2f: {  	lr =	sadd.s32 s0, s3;
	s0 =	sld [smem:$0x3FAE]  }
0x30: {  	s3 =	sld [smem:$0x3FB1]  }
0x31: {  	[smem:$0x3FBA] =	sst s10  }
0x32: {  	s10 =	sld [smem:$0x3FB8];
	_ =	sdelay $0x3  }
0x33: {  	p0 =	seq.s32 s10, $0x1;
	s10 =	sld [smem:$0x3FBA];
	_ =	sdelay $0x3  }
0x34: {  	[smem:$0x3FBA] =	sst s10  }
0x35: {  	s10 =	sld [smem:$0x3FB9];
	_ =	sdelay $0x3  }
0x36: {  	p1 =	seq.s32 s10, $0x1;
	s10 =	sld [smem:$0x3FBA];
	_ =	sdelay $0x3  }
0x37: {  	[smem:$0x3FBA] =	sst s10  }
0x38: {  	s10 =	sld [smem:$0x3FBB]  }
0x39: {  	_ = 	snop;
	(pc) =	sbr.ind lr, $3  }
0x3a: {  	_ = 	snop  }
0x3b: {  	_ = 	snop  }
0x3c: {  	p2 =	seq.s32 s10, $0x1;
	s10 =	sld [smem:$0x3FBA]  }
0x3d: {  	_ =	shalt  }
0x3e: {  	_ =	shalt  }
0x3f: {  	_ =	shalt  }
0x40: {  	_ =	shalt  }
0x41: {  	_ =	shalt  }
0x42: {  	_ =	shalt  }
0x43: {  	_ =	shalt  }
0x44: {  	_ =	shalt  }
0x45: {  	_ =	shalt  }
0x46: {  	_ =	shalt  }
0x47: {  	_ =	shalt  }
0x48: {  	_ =	shalt  }
0x49: {  	_ =	shalt  }
0x4a: {  	_ =	shalt  }
0x4b: {  	_ =	shalt  }
0x4c: {  	_ =	shalt  }
0x4d: {  	_ =	shalt  }
0x4e: {  	_ =	shalt  }
0x4f: {  	_ =	shalt  }
0x50: {  	_ =	shalt  }
0x51: {  	_ =	shalt  }
0x52: {  	_ =	shalt  }
0x53: {  	_ =	shalt  }
0x54: {  	_ =	shalt  }
0x55: {  	_ =	shalt  }
0x56: {  	_ =	shalt  }
0x57: {  	_ =	shalt  }
0x58: {  	_ =	shalt  }
0x59: {  	_ =	shalt  }
0x5a: {  	_ =	shalt  }
0x5b: {  	_ =	shalt  }
0x5c: {  	_ =	shalt  }
0x5d: {  	_ =	shalt  }
0x5e: {  	_ =	shalt  }
0x5f: {  	_ =	shalt  }
0x60: {  	_ =	shalt  }
0x61: {  	_ =	shalt  }
0x62: {  	_ =	shalt  }
0x63: {  	_ =	shalt  }
0x64: {  	_ =	shalt  }
0x65: {  	_ =	shalt  }
0x66: {  	_ =	shalt  }
0x67: {  	_ =	shalt  }
0x68: {  	_ =	shalt  }
0x69: {  	_ =	shalt  }
0x6a: {  	_ =	shalt  }
0x6b: {  	_ =	shalt  }
0x6c: {  	_ =	shalt  }
0x6d: {  	_ =	shalt  }
0x6e: {  	_ =	shalt  }
0x6f: {  	_ =	shalt  }
0x70: {  	_ =	shalt  }
0x71: {  	_ =	shalt  }
0x72: {  	_ =	shalt  }
0x73: {  	_ =	shalt  }
0x74: {  	_ =	shalt  }
0x75: {  	_ =	shalt  }
0x76: {  	_ =	shalt  }
0x77: {  	_ =	shalt  }
0x78: {  	_ =	shalt  }
0x79: {  	_ =	shalt  }
0x7a: {  	_ =	shalt  }
0x7b: {  	_ =	shalt  }
0x7c: {  	_ =	shalt  }
0x7d: {  	_ =	shalt  }
0x7e: {  	_ =	shalt  }
0x7f: {  	_ =	shalt  }
0x80: {  	_ =	shalt  }
0x81: {  	_ =	shalt  }
0x82: {  	_ =	shalt  }
0x83: {  	_ =	shalt  }
0x84: {  	_ =	shalt  }
0x85: {  	_ =	shalt  }
0x86: {  	_ =	shalt  }
0x87: {  	_ =	shalt  }
.Lfunc_end0:
.L_simem_size_0:
called_computation_lowered:
.L_overlay_start_0:
0x88: {  	s2 =	sld [smem:$0x3FD9]  }
0x89: {  	s3 =	sld [smem:$0x3FFE];
	_ =	sdelay $0x1  }
0x8a: {  	s1 =	srdreg.scid  }
0x8b: {  	s0 =	sand.u32 $0x1, s1  }
0x8c: {  	s17 =	sshll.u32 s0, $0xA;
	s2 =	sadd.s32 s3, s2  }
0x8d: {  	s2 =	sadd.s32 s2, s17  }
0x8e: {  	[smem:$0x3FC6] =	sst s2  }
0x8f: {  	_ = 	snop  }
0x90: {  	s2 =	sld [smem:$0x3FD0];
	(tm) =	ssettm $0x1  }
0x91: {  	s18 =	sld [smem:$0x3FFB];
	_ =	sdelay $0x3  }
0x92: {  	_ =	strace s18  }
0x93: {  	s3 =	sld [smem:$0x3FFC];
	_ =	sdelay $0x3  }
0x94: {  	_ =	strace s3  }
0x95: {  	s3 =	sld [smem:$0x3FFD];
	_ =	sdelay $0x3  }
0x96: {  	_ =	strace s3  }
0x97: {  	_ =	strace $0x8FFFFFFF  }
0x98: {  	s19 =	sld [smem:$0x3FDB];
	_ =	sdelay $0x1  }
0x99: {  	s4 =	simm.s32 $_scs_section_size  }
0x9a: {  	s5 =	simm.s32 $_size__tile_overlayer_lowered;
	s6 =	simm.s32 $_tile_overlayer_lowered  }
0x9b: {  	s22 =	simm.s32 $0x1BFF;
	s21 =	sshll.u32 s6, $0x1;
	s3 =	sadd.s32 s4, s19  }
0x9c: {  	s7 =	simm.s32 $0x0;
	s20 =	sshll.u32 s5, $0x1;
	s5 =	sadd.s32 s21, s3  }
0x9d: {  	[timem:s7], [sflag:s22] =	dma.local [hbm:s5], s20  }
0x9e: {  	_ =	swait.ge [sflag:s22], s20  }
0x9f: {  	s4 =	ssub.s32 $0x0, s20;
	[sflag:s22] =	ssyncset.done $0x0  }
0xa0: {  	[sflag:s22] =	ssyncadd.s32 s4;
	_ =	sdelay $0x1  }
0xa1: {  	s23 =	simm.s32 $0x1B8B  }
0xa2: {  	_ =	swait.ge [sflag:s23], $0x1  }
0xa3: {  	[sflag:s23] =	ssyncset.done $0x0  }
0xa4: {  	s25 =	simm.s32 $0x1B8E;
	s24 =	sld [smem:$0x3FFE];
	[sflag:s23] =	ssyncadd.s32 $0xFFFFFFFF  }
0xa5: {  	s26 =	simm.s32 $execute0_lowered;
	[smem:$0x3FD2] =	sst s25  }
0xa6: {  	s5 =	sshll.u32 s26, $0x1;
	_ =	strace $0x80000046;
	[dreg:$0x1] =	wrdreg $0xFFFFFFFF  }
0xa7: {  	s28 =	simm.s32 $_size_execute0_lowered;
	s3 =	sadd.s32 s3, s5;
	[dreg:$0x0] =	wrdreg $0x0  }
0xa8: {  	s5 =	sshll.u32 s28, $0x1;
	[dreg:$0x2] =	wrdreg s3  }
0xa9: {  	[dreg:$0x3] =	wrdreg s5  }
0xaa: {  	[dreg:$0x4] =	wrdreg $0xC0  }
0xab: {  	_ =	task [dreg:s7], $0x5FFFF  }
0xac: {  	[dreg:$0x1] =	wrdreg $0xFFFFFFFF  }
0xad: {  	[dreg:$0x0] =	wrdreg $0x60  }
0xae: {  	[dreg:$0x2] =	wrdreg s24  }
0xaf: {  	[dreg:$0x3] =	wrdreg s2  }
0xb0: {  	[dreg:$0x4] =	wrdreg $0x9  }
0xb1: {  	_ =	task.clear_ibuf [dreg:s7], $0x5FFFF;
	_ =	strace $0x90000046  }
0xb2: {  	s29 =	simm.s32 $0x9;
	_ =	strace $0x80000048  }
0xb3: {  	_ =	swait.ge [sflag:s29], $0x1  }
0xb4: {  	[sflag:s29] =	ssyncadd.s32 $0xFFFFFFFF  }
0xb5: {  	_ =	strace $0x90000048  }
0xb6: {  	_ =	sfence  }
0xb7: {  	s30 =	sld [smem:$0x0];
	_ =	sdelay $0x2  }
0xb8: {  	s31 =	sshll.u32 s1, $0xD;
	s1 =	sshrl.u32 s1, $0x2  }
0xb9: {  	s3 =	sand.u32 $0x4000, s31;
	s1 =	sadd.s32 s1, s30  }
0xba: {  	s0 =	sor.u32 s3, s0;
	s1 =	sshll.u32 s1, $0x11  }
0xbb: {  	s0 =	sor.u32 s1, s0  }
0xbc: {  	s0 =	sadd.s32 $0x8F2B, s0  }
0xbd: {  	[sflag:s0] =	ssyncadd.remote.s32 $0x1  }
0xbe: {  	_ =	sfence.sel $0xFFFF  }
0xbf: {  	[dreg:$0x0] =	wrdreg $0xFFFFFFFF;
	(pc) =	sbr.abs _section_cstart, $3  }
0xc0: {  	[dreg:$0x1] =	wrdreg $0xFFFFFFFF  }
0xc1: {  	_ =	task.clear_ibuf [dreg:s7], $0x2FFFF;
	_ =	strace $0x9FFFFFFF  }
0xc2: {  	(tm) =	ssettm $0x7FFFFFFF  }
0xc3: {  	_ =	shalt  }
tec
execute0_lowered:
.L_overlay_start_1:
0x0: {  	(tag) =	ssettag $0x1  }
0x1: {  	s0 =	rddreg [dreg:$0x0]  }
0x2: {  	s8 =	rddreg [dreg:$0x1]  }
0x3: {  	s3 =	srdreg.scid;
	s2 =	simm.s32 $0x0;
	s1 =	stileid.u32  }
0x4: {  	s23 =	simm.s32 $0x880;
	s24 =	simm.s32 $0x1080;
	s25 =	simm.s32 $0x1880  }
0x5: {  	s11 =	simm.s32 $0x80;
	s26 =	simm.s32 $0x2080;
	s13 =	simm.s32 $0x3080  }
0x6: {  	s14 =	simm.s32 $0x3880;
	s15 =	simm.s32 $0x4080;
	s16 =	simm.s32 $0x4880  }
0x7: {  	s17 =	simm.s32 $0x5080;
	s18 =	simm.s32 $0x5880;
	s19 =	simm.s32 $0x6080  }
0x8: {  	s20 =	simm.s32 $0x6880;
	s28 =	simm.s32 $0xA080;
	s29 =	simm.s32 $0xA880  }
0x9: {  	s30 =	simm.s32 $0xB080;
	s31 =	simm.s32 $0xB880;
	[smem:$0x7FF] =	sst s2  }
0xa: {  	s3 =	sand.u32 $0x1, s3;
	_ =	strace $0x80000047;
	[dreg:$0x5] =	wrdreg s23  }
0xb: {  	s4 =	sshll.u32 s1, $0x3;
	s5 =	sshll.u32 s3, $0x2;
	[dreg:$0x6] =	wrdreg s24  }
0xc: {  	s21 =	ssub.s32 $0x2, s3;
	s3 =	sadd.s32 $0x600, s0;
	[dreg:$0x7] =	wrdreg s25  }
0xd: {  	[dreg:$0x8] =	wrdreg s26;
	s23 =	simm.s32 $0x8080;
	s24 =	simm.s32 $0x8880  }
0xe: {  	s25 =	simm.s32 $0x9080;
	s26 =	simm.s32 $0x9880;
	s4 =	sor.u32 s5, s4  }
0xf: {  	s7 =	sshrl.u32 s21, $0x1;
	s5 =	sadd.s32 $0x800, s0;
	s6 =	sadd.s32 s4, s0  }
0x10: {  	s9 =	ssub.s32 s21, s7;
	s10 =	smul.u32 $0x600, s4;
	s4 =	sadd.s32 $0x700, s0  }
0x11: {  	s7 =	sadd.s32 $0xA00, s0;
	s21 =	simm.s32 $0x7080;
	s22 =	sadd.s32 $0x180600, s6  }
0x12: {  	v2 =	vlaneseq.u32;
	s6 =	sadd.s32 $0x900, s0;
	s9 =	smax.u32 s9, $0x1;
	[dreg:$0x3] =	wrdreg s22  }
0x13: {  	vm0 =	vmmov $0xffff;
	v1 =	vshrl.u32 v2, $0x3;
	s10 =	sadd.s32 s8, s10;
	s8 =	sadd.s32 $0xB00, s0;
	s22 =	simm.s32 $0x7880  }
0x14: {  	v0 =	vand.u32 $0x7, v2;
	v2 =	vor.u32 $0x8, v2;
	v1 =	vmul.u32 $0x8, v1;
	s0 =	simm.s32 $0x1;
	[dreg:$0x4] =	wrdreg s10;
	s10 =	simm.s32 $0x2  }
.LBB2_1:
0x15: {  	s1 =	rddreg [dreg:$0x3]  }
0x16: {  	[tilespmem:s2], [sflag:$0x2] =	stream.linear.gather [hbm4b:s1+s2], $0x20, $0x38;
	[tilespmem:$0xC080] =	vst v63  }
0x17: {  	_ =	swait.ge [sflag:s10], $0x20  }
0x18: {  	[sflag:s10] =	ssyncset.done $0x0  }
0x19: {  	[sflag:s10] =	ssyncadd.s32 $0xFFFFFFE0  }
0x1a: {  	v3 =	vld [tilespmem:$0x0];
	_ =	sdelay $0x4  }
0x1b: {  	v4 =	vshrl.u32 v3, $0x3  }
0x1c: {  	v4 =	vmul.u32 $0x60, v4  }
0x1d: {  	v3 =	vand.u32 $0x7, v3  }
0x1e: {  	v3 =	vor.u32 v3, v4  }
0x1f: {  	v4 =	vperm.xlane v3, v0;
	_ =	sdelay $0x1  }
0x20: {  	v4 =	vadd.s32 v1, v4;
	_ =	sdelay $0x4  }
0x21: {  	[tilespmem:s11], [sflag:$0x1] =	stream.indirect_vreg.gather [hbm4b:s3+s2], $0x80, v4, vm0, $0xb8;
	[tilespmem:$0xC080] =	vst v63  }
0x22: {  	s1 =	rddreg [dreg:$0x5]  }
0x23: {  	[tilespmem:s1], [sflag:$0x1] =	stream.indirect_vreg.gather [hbm4b:s4+s2], $0x80, v4, vm0, $0xb8;
	[tilespmem:$0xC080] =	vst v63  }
0x24: {  	s12 =	rddreg [dreg:$0x6]  }
0x25: {  	[tilespmem:s12], [sflag:$0x1] =	stream.indirect_vreg.gather [hbm4b:s5+s2], $0x80, v4, vm0, $0xb8;
	[tilespmem:$0xC080] =	vst v63  }
0x26: {  	v3 =	vperm.xlane v3, v2;
	s1 =	rddreg [dreg:$0x7]  }
0x27: {  	[tilespmem:s1], [sflag:$0x1] =	stream.indirect_vreg.gather [hbm4b:s6+s2], $0x80, v4, vm0, $0xb8;
	[tilespmem:$0xC080] =	vst v63  }
0x28: {  	v3 =	vadd.s32 v1, v3;
	s12 =	rddreg [dreg:$0x8]  }
0x29: {  	[tilespmem:s12], [sflag:$0x1] =	stream.indirect_vreg.gather [hbm4b:s7+s2], $0x80, v4, vm0, $0xb8;
	[tilespmem:$0xC080] =	vst v63  }
0x2a: {  	s12 =	simm.s32 $0x2880  }
0x2b: {  	[tilespmem:s12], [sflag:$0x1] =	stream.indirect_vreg.gather [hbm4b:s8+s2], $0x80, v4, vm0, $0xb8;
	[tilespmem:$0xC080] =	vst v63  }
0x2c: {  	_ = 	snop  }
0x2d: {  	[tilespmem:s13], [sflag:$0x1] =	stream.indirect_vreg.gather [hbm4b:s3+s2], $0x80, v3, vm0, $0xb8;
	[tilespmem:$0xC080] =	vst v63  }
0x2e: {  	_ = 	snop  }
0x2f: {  	[tilespmem:s14], [sflag:$0x1] =	stream.indirect_vreg.gather [hbm4b:s4+s2], $0x80, v3, vm0, $0xb8;
	[tilespmem:$0xC080] =	vst v63  }
0x30: {  	_ = 	snop  }
0x31: {  	[tilespmem:s15], [sflag:$0x1] =	stream.indirect_vreg.gather [hbm4b:s5+s2], $0x80, v3, vm0, $0xb8;
	[tilespmem:$0xC080] =	vst v63  }
0x32: {  	_ = 	snop  }
0x33: {  	[tilespmem:s16], [sflag:$0x1] =	stream.indirect_vreg.gather [hbm4b:s6+s2], $0x80, v3, vm0, $0xb8;
	[tilespmem:$0xC080] =	vst v63  }
0x34: {  	_ = 	snop  }
0x35: {  	[tilespmem:s17], [sflag:$0x1] =	stream.indirect_vreg.gather [hbm4b:s7+s2], $0x80, v3, vm0, $0xb8;
	[tilespmem:$0xC080] =	vst v63  }
0x36: {  	_ = 	snop  }
0x37: {  	[tilespmem:s18], [sflag:$0x1] =	stream.indirect_vreg.gather [hbm4b:s8+s2], $0x80, v3, vm0, $0xb8;
	[tilespmem:$0xC080] =	vst v63  }
0x38: {  	v3 =	vld [tilespmem:$0x10];
	_ =	sdelay $0x4  }
0x39: {  	v63 =	vshrl.u32 v3, $0x3  }
0x3a: {  	v4 =	vmul.u32 $0x60, v63  }
0x3b: {  	v3 =	vand.u32 $0x7, v3  }
0x3c: {  	v3 =	vor.u32 v3, v4  }
0x3d: {  	v4 =	vperm.xlane v3, v0;
	_ =	sdelay $0x1  }
0x3e: {  	v4 =	vadd.s32 v1, v4;
	_ =	sdelay $0x4  }
0x3f: {  	[tilespmem:s19], [sflag:$0x1] =	stream.indirect_vreg.gather [hbm4b:s3+s2], $0x80, v4, vm0, $0xb8;
	[tilespmem:$0xC080] =	vst v63  }
0x40: {  	_ = 	snop  }
0x41: {  	[tilespmem:s20], [sflag:$0x1] =	stream.indirect_vreg.gather [hbm4b:s4+s2], $0x80, v4, vm0, $0xb8;
	[tilespmem:$0xC080] =	vst v63  }
0x42: {  	_ = 	snop  }
0x43: {  	[tilespmem:s21], [sflag:$0x1] =	stream.indirect_vreg.gather [hbm4b:s5+s2], $0x80, v4, vm0, $0xb8;
	[tilespmem:$0xC080] =	vst v63  }
0x44: {  	v3 =	vperm.xlane v3, v2  }
0x45: {  	[tilespmem:s22], [sflag:$0x1] =	stream.indirect_vreg.gather [hbm4b:s6+s2], $0x80, v4, vm0, $0xb8;
	[tilespmem:$0xC080] =	vst v63  }
0x46: {  	v3 =	vadd.s32 v1, v3  }
0x47: {  	[tilespmem:s23], [sflag:$0x1] =	stream.indirect_vreg.gather [hbm4b:s7+s2], $0x80, v4, vm0, $0xb8;
	[tilespmem:$0xC080] =	vst v63  }
0x48: {  	_ = 	snop  }
0x49: {  	[tilespmem:s24], [sflag:$0x1] =	stream.indirect_vreg.gather [hbm4b:s8+s2], $0x80, v4, vm0, $0xb8;
	[tilespmem:$0xC080] =	vst v63  }
0x4a: {  	_ = 	snop  }
0x4b: {  	[tilespmem:s25], [sflag:$0x1] =	stream.indirect_vreg.gather [hbm4b:s3+s2], $0x80, v3, vm0, $0xb8;
	[tilespmem:$0xC080] =	vst v63  }
0x4c: {  	_ = 	snop  }
0x4d: {  	[tilespmem:s26], [sflag:$0x1] =	stream.indirect_vreg.gather [hbm4b:s4+s2], $0x80, v3, vm0, $0xb8;
	[tilespmem:$0xC080] =	vst v63  }
0x4e: {  	_ = 	snop  }
0x4f: {  	[tilespmem:s28], [sflag:$0x1] =	stream.indirect_vreg.gather [hbm4b:s5+s2], $0x80, v3, vm0, $0xb8;
	[tilespmem:$0xC080] =	vst v63  }
0x50: {  	_ = 	snop  }
0x51: {  	[tilespmem:s29], [sflag:$0x1] =	stream.indirect_vreg.gather [hbm4b:s6+s2], $0x80, v3, vm0, $0xb8;
	[tilespmem:$0xC080] =	vst v63  }
0x52: {  	_ = 	snop  }
0x53: {  	[tilespmem:s30], [sflag:$0x1] =	stream.indirect_vreg.gather [hbm4b:s7+s2], $0x80, v3, vm0, $0xb8;
	[tilespmem:$0xC080] =	vst v63  }
0x54: {  	_ = 	snop  }
0x55: {  	[tilespmem:s31], [sflag:$0x1] =	stream.indirect_vreg.gather [hbm4b:s8+s2], $0x80, v3, vm0, $0xb8;
	[tilespmem:$0xC080] =	vst v63  }
0x56: {  	_ =	swait.ge [sflag:s0], $0xC000  }
0x57: {  	p0 =	sne.s32 s9, $0x1;
	[sflag:s0] =	ssyncset.done $0x0  }
.Ltmp0:
0x58: {  	s12 =	rddreg [dreg:$0x4];
	[sflag:s0] =	ssyncadd.s32 $0xFFFF4000;
	(pc) =	sbr.rel @p0 .LBB2_1-.Ltmp0, $4  }
0x59: {  	[hbm4b:s12+s2] =	stream.linear.scatter [tilespmem:s11], [sflag:$0x2], $0xC000, $0x38;
	[tilespmem:$0xC080] =	vst v63  }
0x5a: {  	_ =	swait.ge [sflag:s10], $0xC000  }
0x5b: {  	[sflag:s10] =	ssyncset.done $0x0  }
0x5c: {  	s9 =	sadd.s32 $0xFFFFFFFF, s9;
	[sflag:s10] =	ssyncadd.s32 $0xFFFF4000  }
0x5d: {  	_ =	sfence.sel $0x180000  }
0x5e: {  	[bflag:$0x0] =	sbarrier.arrive $0xFFFF  }
0x5f: {  	_ =	strace $0x90000047  }
0x60: {  	s0 =	stileid.u32;
	[bflag:$0x2] =	sbarrier.arrive $0xFFFF  }
0x61: {  	p0 =	sne.s32 s0, $0x0;
	s0 =	rddreg [dreg:$0x2]  }
0x62: {  	s0 =	sadd.s32 @!p0 $0x100000, s0  }
0x63: {  	[sflag:s0] =	ssyncadd.tile.s32 @!p0 $0x1;
	_ =	shalt  }
.Lfunc_end2:
_tile_overlayer_lowered:
.L_overlay_start_2:
0x64: {  	(tag) =	ssettag $0x2  }
0x65: {  	s0 =	rddreg [dreg:$0x0];
	s2 =	stileid.u32  }
0x66: {  	s1 =	rddreg [dreg:$0x1];
	p0 =	sne.s32 s2, $0x0  }
0x67: {  	s3 =	rddreg [dreg:$0x2];
	[bflag:$0x3] =	sbarrier.arrive $0xFFFF;
	s2 =	simm.s32 @!p0 $0x1C02  }
0x68: {  	[timem:s3], [sflag:s2] =	dma.local @!p0 [hbm:s0], s1  }
0x69: {  	s0 =	simm.s32 @!p0 $0x2  }
0x6a: {  	_ =	swait.ge @!p0 [sflag:s0], s1  }
0x6b: {  	s1 =	ssub.s32 @!p0 $0x0, s1;
	[sflag:s0] =	ssyncset.done @!p0 $0x0  }
0x6c: {  	[sflag:s0] =	ssyncadd.s32 @!p0 s1  }
0x6d: {  	[bflag:$0x3] =	sbarrier.arrive $0xFFFF  }
0x6e: {  	_ =	shalt  }

</sc_bundles>
